<compile_context>
chip_gen: v7x
topology: tpu7x:2x2x1
jax: 0.10.2.dev20260603
libtpu: 0.0.44.dev20260713+nightly
codegen_flags: <defaults>
</compile_context>

<pallas_src>
import functools

import jax
import jax.numpy as jnp
from jax import lax
from jax.experimental import pallas as pl
from jax.experimental.pallas import tpu as pltpu
from jax.experimental.pallas import tpu_sc as plsc

SEQ = 32768
DIM_HALF = 64
PACKED = 2 * DIM_HALF
TAB_ROWS = 9216

_info = plsc.get_sparse_core_info()
_NC, _NS = _info.num_cores, _info.num_subcores
_NW = _NC * _NS

_SPLITS = 2
_SEQ_SPLIT = SEQ // _SPLITS
_BPW = _SEQ_SPLIT // _NW
_CHUNK = 256
_NCH = _BPW // _CHUNK


def _make_gather(split):
  mesh = plsc.VectorSubcoreMesh(core_axis_name="c", subcore_axis_name="s")

  @functools.partial(
      pl.kernel,
      mesh=mesh,
      compiler_params=pltpu.CompilerParams(use_tc_tiling_on_sc=True),
      out_type=jax.ShapeDtypeStruct((_SEQ_SPLIT, PACKED), jnp.float32),
      scratch_types=[
          pltpu.VMEM((_BPW,), jnp.int32),
          pltpu.VMEM((_CHUNK, PACKED), jnp.float32),
          pltpu.VMEM((_CHUNK, PACKED), jnp.float32),
          pltpu.SemaphoreType.DMA,
          pltpu.SemaphoreType.DMA,
          pltpu.SemaphoreType.DMA,
          pltpu.SemaphoreType.DMA,
      ],
      name=f"rope_gather_{split}",
  )
  def rope_gather(pos_hbm, tab_hbm, out_hbm,
                  idx_v, buf0, buf1, gsem0, gsem1, wsem0, wsem1):
    wid = lax.axis_index("s") * _NC + lax.axis_index("c")
    base = wid * _BPW
    pltpu.sync_copy(pos_hbm.at[pl.ds(split * _SEQ_SPLIT + base, _BPW)],
                    idx_v)
    buf = (buf0, buf1)
    gsem = (gsem0, gsem1)
    wsem = (wsem0, wsem1)

    def gather(c):
      p = c % 2
      idx_c = idx_v.at[pl.ds(c * _CHUNK, _CHUNK)]
      return pltpu.async_copy(tab_hbm.at[idx_c], buf[p], gsem[p])

    def write(c):
      p = c % 2
      return pltpu.async_copy(
          buf[p], out_hbm.at[pl.ds(base + c * _CHUNK, _CHUNK)], wsem[p])

    pending_g = [None, None]
    pending_w = [None, None]
    pending_g[0] = gather(0)
    for c in range(_NCH):
      p = c % 2
      p1 = (c + 1) % 2
      if c + 1 < _NCH:
        if pending_w[p1] is not None:
          pending_w[p1].wait()
          pending_w[p1] = None
        pending_g[p1] = gather(c + 1)
      pending_g[p].wait()
      pending_w[p] = write(c)
    for p in range(2):
      if pending_w[p] is not None:
        pending_w[p].wait()

  return rope_gather


_gathers = [_make_gather(s) for s in range(_SPLITS)]

_PACK_BLK = 2304


def _pack_body(cos_t_ref, sin_t_ref, out_ref):
  out_ref[...] = jnp.concatenate(
      [cos_t_ref[...].T, sin_t_ref[...].T], axis=1)


_pack_t = pl.pallas_call(
    _pack_body,
    grid=(TAB_ROWS // _PACK_BLK,),
    in_specs=[
        pl.BlockSpec((DIM_HALF, _PACK_BLK), lambda i: (0, i)),
        pl.BlockSpec((DIM_HALF, _PACK_BLK), lambda i: (0, i)),
    ],
    out_specs=pl.BlockSpec((_PACK_BLK, PACKED), lambda i: (i, 0)),
    out_shape=jax.ShapeDtypeStruct((TAB_ROWS, PACKED), jnp.float32),
)

_UNPACK_BLK = 2048
_BLKS_PER_SPLIT = _SEQ_SPLIT // _UNPACK_BLK


def _unpack_first_body(packed_ref, cos_ref, sin_ref):
  xt = packed_ref[...].T
  cos_ref[...] = xt[:DIM_HALF, :]
  sin_ref[...] = xt[DIM_HALF:, :]


def _unpack_rest_body(cos_acc_ref, sin_acc_ref, packed_ref,
                      cos_ref, sin_ref):
  del cos_acc_ref, sin_acc_ref
  xt = packed_ref[...].T
  cos_ref[...] = xt[:DIM_HALF, :]
  sin_ref[...] = xt[DIM_HALF:, :]


def _make_unpack(split):
  out_specs = [
      pl.BlockSpec((DIM_HALF, _UNPACK_BLK),
                   lambda i: (0, split * _BLKS_PER_SPLIT + i)),
      pl.BlockSpec((DIM_HALF, _UNPACK_BLK),
                   lambda i: (0, split * _BLKS_PER_SPLIT + i)),
  ]
  out_shape = [
      jax.ShapeDtypeStruct((DIM_HALF, SEQ), jnp.float32),
      jax.ShapeDtypeStruct((DIM_HALF, SEQ), jnp.float32),
  ]
  packed_spec = pl.BlockSpec((_UNPACK_BLK, PACKED), lambda i: (i, 0))
  if split == 0:
    return pl.pallas_call(
        _unpack_first_body,
        grid=(_BLKS_PER_SPLIT,),
        in_specs=[packed_spec],
        out_specs=out_specs,
        out_shape=out_shape,
    )
  return pl.pallas_call(
      _unpack_rest_body,
      grid=(_BLKS_PER_SPLIT,),
      in_specs=[
          pl.BlockSpec(memory_space=pl.ANY),
          pl.BlockSpec(memory_space=pl.ANY),
          packed_spec,
      ],
      out_specs=out_specs,
      out_shape=out_shape,
      input_output_aliases={0: 0, 1: 1},
  )


_unpacks = [_make_unpack(s) for s in range(_SPLITS)]


@jax.jit
def kernel(positions, cos_cache, sin_cache):
  pos = positions.astype(jnp.int32)
  packed_tab = _pack_t(cos_cache.T, sin_cache.T)
  packed = [_gathers[s](pos, packed_tab) for s in range(_SPLITS)]
  cos_t, sin_t = _unpacks[0](packed[0])
  for s in range(1, _SPLITS):
    cos_t, sin_t = _unpacks[s](cos_t, sin_t, packed[s])
  return (cos_t.T, sin_t.T)

# --- scband reference (transcript-rebuilt; emitter-appended) ---
"""Pipeline reference for scband-rotary-5342939316868 (READ-ONLY COPY).

The authoritative reference and input builder live on the scoring server;
editing this copy changes nothing except your own understanding.
"""

import jax, jax.numpy as jnp
import numpy as np

DIM = 128
BASE = 10000.0
CACHE_SIZE = 8192
EXTENDED = CACHE_SIZE + 1024  # 9216
SEQ = 32768


def setup_inputs(seed: int = 0) -> dict:
    key = jax.random.key(seed)
    k1, _ = jax.random.split(key)
    positions = jax.random.randint(k1, (SEQ,), 0, EXTENDED, dtype=jnp.int64 if jax.config.jax_enable_x64 else jnp.int32)
    # Pre-computed RoPE caches (buffers derived from init args)
    inv_freq = 1.0 / (BASE ** (jnp.arange(0, DIM, 2, dtype=jnp.float32) / DIM))
    pos = jnp.arange(EXTENDED, dtype=jnp.float32)
    freqs = jnp.outer(pos, inv_freq)  # [EXTENDED, DIM//2]
    cos_cache = jnp.cos(freqs)
    sin_cache = jnp.sin(freqs)
    return {"positions": positions, "cos_cache": cos_cache, "sin_cache": sin_cache}


def reference(positions, cos_cache, sin_cache):
    # Faithful translation of Rotary.forward: gather rows of the precomputed
    # cos/sin caches at the given position indices.
    cos = jnp.take(cos_cache, positions, axis=0)
    sin = jnp.take(sin_cache, positions, axis=0)
    return (cos, sin)

if __name__ == "__main__":
    import jax
    _d = setup_inputs()
    print(jax.jit(kernel)(*tuple(_d.values())))

</pallas_src>

<mosaic_0001>
#map = affine_map<(d0, d1) -> (0)>
#map1 = affine_map<(d0, d1) -> (0, 0)>
module attributes {stable_mosaic.version = 14 : i64} {
  func.func @rope_gather_0(%arg0: i32, %arg1: i32, %arg2: memref<32768xi32, #tpu.memory_space<hbm>>, %arg3: memref<9216x128xf32, #tpu.memory_space<hbm>>, %arg4: memref<16384x128xf32, #tpu.memory_space<hbm>>, %arg5: memref<512xi32, #tpu.memory_space<vmem>>, %arg6: memref<256x128xf32, #tpu.memory_space<vmem>>, %arg7: memref<256x128xf32, #tpu.memory_space<vmem>>, %arg8: memref<!tpu.dma_semaphore, #tpu.memory_space<semaphore_mem>>, %arg9: memref<!tpu.dma_semaphore, #tpu.memory_space<semaphore_mem>>, %arg10: memref<!tpu.dma_semaphore, #tpu.memory_space<semaphore_mem>>, %arg11: memref<!tpu.dma_semaphore, #tpu.memory_space<semaphore_mem>>) attributes {dimension_semantics = [#tpu.dimension_semantics<core_parallel>, #tpu.dimension_semantics<subcore_parallel>], iteration_bounds = array<i64: 2, 16>, scalar_prefetch = 0 : i64, scratch_operands = 7 : i64, tpu.core_type = #tpu.core_type<sc_vector_subcore>, window_params = [{transform_indices = #map}, {transform_indices = #map1}, {transform_indices = #map1}]} {
    %mul3A = arith.constant 2 : i32
    %mul3A_0 = arith.muli %arg1, %mul3A : i32
    %add3A = arith.addi %mul3A_0, %arg0 : i32
    %mul3A_1 = arith.constant 512 : i32
    %mul3A_2 = arith.muli %add3A, %mul3A_1 : i32
    %add3A_3 = arith.constant 0 : i32
    %add3A_4 = arith.addi %add3A_3, %mul3A_2 : i32
    "tpu.region"() ({
      %run_scoped3A = tpu.sem_alloc : memref<!tpu.dma_semaphore, #tpu.memory_space<semaphore_mem>>
      %dma_start3A_43 = tpu.memref_slice %arg2[%add3A_4] : memref<32768xi32, #tpu.memory_space<hbm>> -> memref<512xi32, #tpu.memory_space<hbm>>
      %dma_start3A_44 = tpu.memref_slice %arg2[%add3A_4] : memref<32768xi32, #tpu.memory_space<hbm>> -> memref<512xi32, #tpu.memory_space<hbm>>
      tpu.enqueue_dma source(%dma_start3A_44 : memref<512xi32, #tpu.memory_space<hbm>>) target(%arg5 : memref<512xi32, #tpu.memory_space<vmem>>) target_semaphore(%run_scoped3A : memref<!tpu.dma_semaphore, #tpu.memory_space<semaphore_mem>>)
      %dma_wait3A_45 = tpu.memref_slice %arg2[%add3A_4] : memref<32768xi32, #tpu.memory_space<hbm>> -> memref<512xi32, #tpu.memory_space<hbm>>
      %dma_wait3A_46 = tpu.memref_slice %arg2[%add3A_4] : memref<32768xi32, #tpu.memory_space<hbm>> -> memref<512xi32, #tpu.memory_space<hbm>>
      tpu.wait_dma2 semaphore(%run_scoped3A : memref<!tpu.dma_semaphore, #tpu.memory_space<semaphore_mem>>) src(%dma_wait3A_46 : memref<512xi32, #tpu.memory_space<hbm>>) dst(%arg5 : memref<512xi32, #tpu.memory_space<vmem>>)
      tpu.yield
    }) : () -> ()
    %dma_start3A = arith.constant 0 : i32
    %dma_start3A_5 = tpu.memref_slice %arg5[%dma_start3A] : memref<512xi32, #tpu.memory_space<vmem>> -> memref<256xi32, #tpu.memory_space<vmem>>
    %dma_start3A_6 = arith.constant 0 : i32
    %dma_start3A_7 = arith.constant 0 : i32
    %dma_start3A_8 = tpu.memref_slice %arg3[%dma_start3A_6, %dma_start3A_7] : memref<9216x128xf32, #tpu.memory_space<hbm>> -> memref<9216x128xf32, #tpu.memory_space<hbm>>
    tpu.enqueue_indirect_dma source(%dma_start3A_8 : memref<9216x128xf32, #tpu.memory_space<hbm>>) target(%arg6 : memref<256x128xf32, #tpu.memory_space<vmem>>) offsets(%dma_start3A_5 : memref<256xi32, #tpu.memory_space<vmem>>) semaphore(%arg8 : memref<!tpu.dma_semaphore, #tpu.memory_space<semaphore_mem>>)
    %dma_start3A_9 = arith.constant 256 : i32
    %dma_start3A_10 = tpu.memref_slice %arg5[%dma_start3A_9] : memref<512xi32, #tpu.memory_space<vmem>> -> memref<256xi32, #tpu.memory_space<vmem>>
    %dma_start3A_11 = arith.constant 0 : i32
    %dma_start3A_12 = arith.constant 0 : i32
    %dma_start3A_13 = tpu.memref_slice %arg3[%dma_start3A_11, %dma_start3A_12] : memref<9216x128xf32, #tpu.memory_space<hbm>> -> memref<9216x128xf32, #tpu.memory_space<hbm>>
    tpu.enqueue_indirect_dma source(%dma_start3A_13 : memref<9216x128xf32, #tpu.memory_space<hbm>>) target(%arg7 : memref<256x128xf32, #tpu.memory_space<vmem>>) offsets(%dma_start3A_10 : memref<256xi32, #tpu.memory_space<vmem>>) semaphore(%arg9 : memref<!tpu.dma_semaphore, #tpu.memory_space<semaphore_mem>>)
    %dma_wait3A = arith.constant 0 : i32
    %dma_wait3A_14 = tpu.memref_slice %arg5[%dma_wait3A] : memref<512xi32, #tpu.memory_space<vmem>> -> memref<256xi32, #tpu.memory_space<vmem>>
    %dma_wait3A_15 = arith.constant 0 : i32
    %dma_wait3A_16 = arith.constant 0 : i32
    %dma_wait3A_17 = tpu.memref_slice %arg3[%dma_wait3A_15, %dma_wait3A_16] : memref<9216x128xf32, #tpu.memory_space<hbm>> -> memref<9216x128xf32, #tpu.memory_space<hbm>>
    tpu.wait_indirect_dma semaphore(%arg8 : memref<!tpu.dma_semaphore, #tpu.memory_space<semaphore_mem>>) src(%dma_wait3A_17 : memref<9216x128xf32, #tpu.memory_space<hbm>>) dst(%arg6 : memref<256x128xf32, #tpu.memory_space<vmem>>)
    %add3A_18 = arith.constant 0 : i32
    %add3A_19 = arith.addi %mul3A_2, %add3A_18 : i32
    %dma_start3A_20 = arith.constant 0 : i32
    %dma_start3A_21 = tpu.memref_slice %arg4[%add3A_19, %dma_start3A_20] : memref<16384x128xf32, #tpu.memory_space<hbm>> -> memref<256x128xf32, #tpu.memory_space<hbm>>
    %dma_start3A_22 = arith.constant 0 : i32
    %dma_start3A_23 = tpu.memref_slice %arg4[%add3A_19, %dma_start3A_22] : memref<16384x128xf32, #tpu.memory_space<hbm>> -> memref<256x128xf32, #tpu.memory_space<hbm>>
    tpu.enqueue_dma source(%arg6 : memref<256x128xf32, #tpu.memory_space<vmem>>) target(%dma_start3A_23 : memref<256x128xf32, #tpu.memory_space<hbm>>) target_semaphore(%arg10 : memref<!tpu.dma_semaphore, #tpu.memory_space<semaphore_mem>>)
    %dma_wait3A_24 = arith.constant 256 : i32
    %dma_wait3A_25 = tpu.memref_slice %arg5[%dma_wait3A_24] : memref<512xi32, #tpu.memory_space<vmem>> -> memref<256xi32, #tpu.memory_space<vmem>>
    %dma_wait3A_26 = arith.constant 0 : i32
    %dma_wait3A_27 = arith.constant 0 : i32
    %dma_wait3A_28 = tpu.memref_slice %arg3[%dma_wait3A_26, %dma_wait3A_27] : memref<9216x128xf32, #tpu.memory_space<hbm>> -> memref<9216x128xf32, #tpu.memory_space<hbm>>
    tpu.wait_indirect_dma semaphore(%arg9 : memref<!tpu.dma_semaphore, #tpu.memory_space<semaphore_mem>>) src(%dma_wait3A_28 : memref<9216x128xf32, #tpu.memory_space<hbm>>) dst(%arg7 : memref<256x128xf32, #tpu.memory_space<vmem>>)
    %add3A_29 = arith.constant 256 : i32
    %add3A_30 = arith.addi %mul3A_2, %add3A_29 : i32
    %dma_start3A_31 = arith.constant 0 : i32
    %dma_start3A_32 = tpu.memref_slice %arg4[%add3A_30, %dma_start3A_31] : memref<16384x128xf32, #tpu.memory_space<hbm>> -> memref<256x128xf32, #tpu.memory_space<hbm>>
    %dma_start3A_33 = arith.constant 0 : i32
    %dma_start3A_34 = tpu.memref_slice %arg4[%add3A_30, %dma_start3A_33] : memref<16384x128xf32, #tpu.memory_space<hbm>> -> memref<256x128xf32, #tpu.memory_space<hbm>>
    tpu.enqueue_dma source(%arg7 : memref<256x128xf32, #tpu.memory_space<vmem>>) target(%dma_start3A_34 : memref<256x128xf32, #tpu.memory_space<hbm>>) target_semaphore(%arg11 : memref<!tpu.dma_semaphore, #tpu.memory_space<semaphore_mem>>)
    %dma_wait3A_35 = arith.constant 0 : i32
    %dma_wait3A_36 = tpu.memref_slice %arg4[%add3A_19, %dma_wait3A_35] : memref<16384x128xf32, #tpu.memory_space<hbm>> -> memref<256x128xf32, #tpu.memory_space<hbm>>
    %dma_wait3A_37 = arith.constant 0 : i32
    %dma_wait3A_38 = tpu.memref_slice %arg4[%add3A_19, %dma_wait3A_37] : memref<16384x128xf32, #tpu.memory_space<hbm>> -> memref<256x128xf32, #tpu.memory_space<hbm>>
    tpu.wait_dma2 semaphore(%arg10 : memref<!tpu.dma_semaphore, #tpu.memory_space<semaphore_mem>>) src(%arg6 : memref<256x128xf32, #tpu.memory_space<vmem>>) dst(%dma_wait3A_38 : memref<256x128xf32, #tpu.memory_space<hbm>>)
    %dma_wait3A_39 = arith.constant 0 : i32
    %dma_wait3A_40 = tpu.memref_slice %arg4[%add3A_30, %dma_wait3A_39] : memref<16384x128xf32, #tpu.memory_space<hbm>> -> memref<256x128xf32, #tpu.memory_space<hbm>>
    %dma_wait3A_41 = arith.constant 0 : i32
    %dma_wait3A_42 = tpu.memref_slice %arg4[%add3A_30, %dma_wait3A_41] : memref<16384x128xf32, #tpu.memory_space<hbm>> -> memref<256x128xf32, #tpu.memory_space<hbm>>
    tpu.wait_dma2 semaphore(%arg11 : memref<!tpu.dma_semaphore, #tpu.memory_space<semaphore_mem>>) src(%arg7 : memref<256x128xf32, #tpu.memory_space<vmem>>) dst(%dma_wait3A_42 : memref<256x128xf32, #tpu.memory_space<hbm>>)
    return
  }
}

#map = affine_map<(d0, d1) -> (0)>
#map1 = affine_map<(d0, d1) -> (0, 0)>
module attributes {stable_mosaic.version = 14 : i64} {
  func.func @rope_gather_1(%arg0: i32, %arg1: i32, %arg2: memref<32768xi32, #tpu.memory_space<hbm>>, %arg3: memref<9216x128xf32, #tpu.memory_space<hbm>>, %arg4: memref<16384x128xf32, #tpu.memory_space<hbm>>, %arg5: memref<512xi32, #tpu.memory_space<vmem>>, %arg6: memref<256x128xf32, #tpu.memory_space<vmem>>, %arg7: memref<256x128xf32, #tpu.memory_space<vmem>>, %arg8: memref<!tpu.dma_semaphore, #tpu.memory_space<semaphore_mem>>, %arg9: memref<!tpu.dma_semaphore, #tpu.memory_space<semaphore_mem>>, %arg10: memref<!tpu.dma_semaphore, #tpu.memory_space<semaphore_mem>>, %arg11: memref<!tpu.dma_semaphore, #tpu.memory_space<semaphore_mem>>) attributes {dimension_semantics = [#tpu.dimension_semantics<core_parallel>, #tpu.dimension_semantics<subcore_parallel>], iteration_bounds = array<i64: 2, 16>, scalar_prefetch = 0 : i64, scratch_operands = 7 : i64, tpu.core_type = #tpu.core_type<sc_vector_subcore>, window_params = [{transform_indices = #map}, {transform_indices = #map1}, {transform_indices = #map1}]} {
    %mul3A = arith.constant 2 : i32
    %mul3A_0 = arith.muli %arg1, %mul3A : i32
    %add3A = arith.addi %mul3A_0, %arg0 : i32
    %mul3A_1 = arith.constant 512 : i32
    %mul3A_2 = arith.muli %add3A, %mul3A_1 : i32
    %add3A_3 = arith.constant 16384 : i32
    %add3A_4 = arith.addi %add3A_3, %mul3A_2 : i32
    "tpu.region"() ({
      %run_scoped3A = tpu.sem_alloc : memref<!tpu.dma_semaphore, #tpu.memory_space<semaphore_mem>>
      %dma_start3A_43 = tpu.memref_slice %arg2[%add3A_4] : memref<32768xi32, #tpu.memory_space<hbm>> -> memref<512xi32, #tpu.memory_space<hbm>>
      %dma_start3A_44 = tpu.memref_slice %arg2[%add3A_4] : memref<32768xi32, #tpu.memory_space<hbm>> -> memref<512xi32, #tpu.memory_space<hbm>>
      tpu.enqueue_dma source(%dma_start3A_44 : memref<512xi32, #tpu.memory_space<hbm>>) target(%arg5 : memref<512xi32, #tpu.memory_space<vmem>>) target_semaphore(%run_scoped3A : memref<!tpu.dma_semaphore, #tpu.memory_space<semaphore_mem>>)
      %dma_wait3A_45 = tpu.memref_slice %arg2[%add3A_4] : memref<32768xi32, #tpu.memory_space<hbm>> -> memref<512xi32, #tpu.memory_space<hbm>>
      %dma_wait3A_46 = tpu.memref_slice %arg2[%add3A_4] : memref<32768xi32, #tpu.memory_space<hbm>> -> memref<512xi32, #tpu.memory_space<hbm>>
      tpu.wait_dma2 semaphore(%run_scoped3A : memref<!tpu.dma_semaphore, #tpu.memory_space<semaphore_mem>>) src(%dma_wait3A_46 : memref<512xi32, #tpu.memory_space<hbm>>) dst(%arg5 : memref<512xi32, #tpu.memory_space<vmem>>)
      tpu.yield
    }) : () -> ()
    %dma_start3A = arith.constant 0 : i32
    %dma_start3A_5 = tpu.memref_slice %arg5[%dma_start3A] : memref<512xi32, #tpu.memory_space<vmem>> -> memref<256xi32, #tpu.memory_space<vmem>>
    %dma_start3A_6 = arith.constant 0 : i32
    %dma_start3A_7 = arith.constant 0 : i32
    %dma_start3A_8 = tpu.memref_slice %arg3[%dma_start3A_6, %dma_start3A_7] : memref<9216x128xf32, #tpu.memory_space<hbm>> -> memref<9216x128xf32, #tpu.memory_space<hbm>>
    tpu.enqueue_indirect_dma source(%dma_start3A_8 : memref<9216x128xf32, #tpu.memory_space<hbm>>) target(%arg6 : memref<256x128xf32, #tpu.memory_space<vmem>>) offsets(%dma_start3A_5 : memref<256xi32, #tpu.memory_space<vmem>>) semaphore(%arg8 : memref<!tpu.dma_semaphore, #tpu.memory_space<semaphore_mem>>)
    %dma_start3A_9 = arith.constant 256 : i32
    %dma_start3A_10 = tpu.memref_slice %arg5[%dma_start3A_9] : memref<512xi32, #tpu.memory_space<vmem>> -> memref<256xi32, #tpu.memory_space<vmem>>
    %dma_start3A_11 = arith.constant 0 : i32
    %dma_start3A_12 = arith.constant 0 : i32
    %dma_start3A_13 = tpu.memref_slice %arg3[%dma_start3A_11, %dma_start3A_12] : memref<9216x128xf32, #tpu.memory_space<hbm>> -> memref<9216x128xf32, #tpu.memory_space<hbm>>
    tpu.enqueue_indirect_dma source(%dma_start3A_13 : memref<9216x128xf32, #tpu.memory_space<hbm>>) target(%arg7 : memref<256x128xf32, #tpu.memory_space<vmem>>) offsets(%dma_start3A_10 : memref<256xi32, #tpu.memory_space<vmem>>) semaphore(%arg9 : memref<!tpu.dma_semaphore, #tpu.memory_space<semaphore_mem>>)
    %dma_wait3A = arith.constant 0 : i32
    %dma_wait3A_14 = tpu.memref_slice %arg5[%dma_wait3A] : memref<512xi32, #tpu.memory_space<vmem>> -> memref<256xi32, #tpu.memory_space<vmem>>
    %dma_wait3A_15 = arith.constant 0 : i32
    %dma_wait3A_16 = arith.constant 0 : i32
    %dma_wait3A_17 = tpu.memref_slice %arg3[%dma_wait3A_15, %dma_wait3A_16] : memref<9216x128xf32, #tpu.memory_space<hbm>> -> memref<9216x128xf32, #tpu.memory_space<hbm>>
    tpu.wait_indirect_dma semaphore(%arg8 : memref<!tpu.dma_semaphore, #tpu.memory_space<semaphore_mem>>) src(%dma_wait3A_17 : memref<9216x128xf32, #tpu.memory_space<hbm>>) dst(%arg6 : memref<256x128xf32, #tpu.memory_space<vmem>>)
    %add3A_18 = arith.constant 0 : i32
    %add3A_19 = arith.addi %mul3A_2, %add3A_18 : i32
    %dma_start3A_20 = arith.constant 0 : i32
    %dma_start3A_21 = tpu.memref_slice %arg4[%add3A_19, %dma_start3A_20] : memref<16384x128xf32, #tpu.memory_space<hbm>> -> memref<256x128xf32, #tpu.memory_space<hbm>>
    %dma_start3A_22 = arith.constant 0 : i32
    %dma_start3A_23 = tpu.memref_slice %arg4[%add3A_19, %dma_start3A_22] : memref<16384x128xf32, #tpu.memory_space<hbm>> -> memref<256x128xf32, #tpu.memory_space<hbm>>
    tpu.enqueue_dma source(%arg6 : memref<256x128xf32, #tpu.memory_space<vmem>>) target(%dma_start3A_23 : memref<256x128xf32, #tpu.memory_space<hbm>>) target_semaphore(%arg10 : memref<!tpu.dma_semaphore, #tpu.memory_space<semaphore_mem>>)
    %dma_wait3A_24 = arith.constant 256 : i32
    %dma_wait3A_25 = tpu.memref_slice %arg5[%dma_wait3A_24] : memref<512xi32, #tpu.memory_space<vmem>> -> memref<256xi32, #tpu.memory_space<vmem>>
    %dma_wait3A_26 = arith.constant 0 : i32
    %dma_wait3A_27 = arith.constant 0 : i32
    %dma_wait3A_28 = tpu.memref_slice %arg3[%dma_wait3A_26, %dma_wait3A_27] : memref<9216x128xf32, #tpu.memory_space<hbm>> -> memref<9216x128xf32, #tpu.memory_space<hbm>>
    tpu.wait_indirect_dma semaphore(%arg9 : memref<!tpu.dma_semaphore, #tpu.memory_space<semaphore_mem>>) src(%dma_wait3A_28 : memref<9216x128xf32, #tpu.memory_space<hbm>>) dst(%arg7 : memref<256x128xf32, #tpu.memory_space<vmem>>)
    %add3A_29 = arith.constant 256 : i32
    %add3A_30 = arith.addi %mul3A_2, %add3A_29 : i32
    %dma_start3A_31 = arith.constant 0 : i32
    %dma_start3A_32 = tpu.memref_slice %arg4[%add3A_30, %dma_start3A_31] : memref<16384x128xf32, #tpu.memory_space<hbm>> -> memref<256x128xf32, #tpu.memory_space<hbm>>
    %dma_start3A_33 = arith.constant 0 : i32
    %dma_start3A_34 = tpu.memref_slice %arg4[%add3A_30, %dma_start3A_33] : memref<16384x128xf32, #tpu.memory_space<hbm>> -> memref<256x128xf32, #tpu.memory_space<hbm>>
    tpu.enqueue_dma source(%arg7 : memref<256x128xf32, #tpu.memory_space<vmem>>) target(%dma_start3A_34 : memref<256x128xf32, #tpu.memory_space<hbm>>) target_semaphore(%arg11 : memref<!tpu.dma_semaphore, #tpu.memory_space<semaphore_mem>>)
    %dma_wait3A_35 = arith.constant 0 : i32
    %dma_wait3A_36 = tpu.memref_slice %arg4[%add3A_19, %dma_wait3A_35] : memref<16384x128xf32, #tpu.memory_space<hbm>> -> memref<256x128xf32, #tpu.memory_space<hbm>>
    %dma_wait3A_37 = arith.constant 0 : i32
    %dma_wait3A_38 = tpu.memref_slice %arg4[%add3A_19, %dma_wait3A_37] : memref<16384x128xf32, #tpu.memory_space<hbm>> -> memref<256x128xf32, #tpu.memory_space<hbm>>
    tpu.wait_dma2 semaphore(%arg10 : memref<!tpu.dma_semaphore, #tpu.memory_space<semaphore_mem>>) src(%arg6 : memref<256x128xf32, #tpu.memory_space<vmem>>) dst(%dma_wait3A_38 : memref<256x128xf32, #tpu.memory_space<hbm>>)
    %dma_wait3A_39 = arith.constant 0 : i32
    %dma_wait3A_40 = tpu.memref_slice %arg4[%add3A_30, %dma_wait3A_39] : memref<16384x128xf32, #tpu.memory_space<hbm>> -> memref<256x128xf32, #tpu.memory_space<hbm>>
    %dma_wait3A_41 = arith.constant 0 : i32
    %dma_wait3A_42 = tpu.memref_slice %arg4[%add3A_30, %dma_wait3A_41] : memref<16384x128xf32, #tpu.memory_space<hbm>> -> memref<256x128xf32, #tpu.memory_space<hbm>>
    tpu.wait_dma2 semaphore(%arg11 : memref<!tpu.dma_semaphore, #tpu.memory_space<semaphore_mem>>) src(%arg7 : memref<256x128xf32, #tpu.memory_space<vmem>>) dst(%dma_wait3A_42 : memref<256x128xf32, #tpu.memory_space<hbm>>)
    return
  }
}

module attributes {stable_mosaic.version = 14 : i64} {
  func.func @_unpack_rest_body(%arg0: i32, %arg1: memref<64x32768xf32, #tpu.memory_space<any>>, %arg2: memref<64x32768xf32, #tpu.memory_space<any>>, %arg3: memref<2048x128xf32, #tpu.memory_space<vmem>>, %arg4: memref<64x2048xf32, #tpu.memory_space<vmem>>, %arg5: memref<64x2048xf32, #tpu.memory_space<vmem>>) attributes {dimension_semantics = [#tpu.dimension_semantics<arbitrary>], iteration_bounds = array<i64: 8>, scalar_prefetch = 0 : i64, scratch_operands = 0 : i64, tpu.core_type = #tpu.core_type<tc>, window_params = [{}, {}, {transform_indices = @transform_2, window_bounds = array<i64: 2048, 128>}, {transform_indices = @transform_3, window_bounds = array<i64: 64, 2048>}, {transform_indices = @transform_4, window_bounds = array<i64: 64, 2048>}]} {
    %get3A = arith.constant 0 : index
    %get3A_0 = arith.constant 0 : index
    %get3A_1 = vector.load %arg3[%get3A, %get3A_0] : memref<2048x128xf32, #tpu.memory_space<vmem>>, vector<2048x128xf32>
    %transpose3A = tpu.transpose %get3A_1, [1, 0] : vector<2048x128xf32> -> vector<128x2048xf32>
    %slice3A = vector.extract_strided_slice %transpose3A {offsets = [0, 0], sizes = [64, 2048], strides = [1, 1]} : vector<128x2048xf32> to vector<64x2048xf32>
    %swap3A = arith.constant 0 : index
    %swap3A_2 = arith.constant 0 : index
    %swap3A_3 = vector.load %arg4[%swap3A, %swap3A_2] : memref<64x2048xf32, #tpu.memory_space<vmem>>, vector<64x2048xf32>
    tpu.vector_store %arg4[%swap3A, %swap3A_2], %slice3A {strides = array<i32>} : memref<64x2048xf32, #tpu.memory_space<vmem>>, vector<64x2048xf32>,
    %slice3A_4 = vector.extract_strided_slice %transpose3A {offsets = [64, 0], sizes = [64, 2048], strides = [1, 1]} : vector<128x2048xf32> to vector<64x2048xf32>
    %swap3A_5 = arith.constant 0 : index
    %swap3A_6 = arith.constant 0 : index
    %swap3A_7 = vector.load %arg5[%swap3A_5, %swap3A_6] : memref<64x2048xf32, #tpu.memory_space<vmem>>, vector<64x2048xf32>
    tpu.vector_store %arg5[%swap3A_5, %swap3A_6], %slice3A_4 {strides = array<i32>} : memref<64x2048xf32, #tpu.memory_space<vmem>>, vector<64x2048xf32>,
    return
  }
  func.func @transform_2(%arg0: i32) -> (i32, i32) {
    %c0_i32 = arith.constant 0 : i32
    %c0_i32_0 = arith.constant 0 : i32
    return %arg0, %c0_i32 : i32, i32
  }
  func.func @transform_3(%arg0: i32) -> (i32, i32) {
    %add3A = arith.constant 8 : i32
    %add3A_0 = arith.addi %add3A, %arg0 : i32
    %c0_i32 = arith.constant 0 : i32
    %c0_i32_1 = arith.constant 0 : i32
    return %c0_i32, %add3A_0 : i32, i32
  }
  func.func @transform_4(%arg0: i32) -> (i32, i32) {
    %add3A = arith.constant 8 : i32
    %add3A_0 = arith.addi %add3A, %arg0 : i32
    %c0_i32 = arith.constant 0 : i32
    %c0_i32_1 = arith.constant 0 : i32
    return %c0_i32, %add3A_0 : i32, i32
  }
}

module attributes {stable_mosaic.version = 14 : i64} {
  func.func @_pack_body(%arg0: i32, %arg1: memref<64x2304xf32, #tpu.memory_space<vmem>>, %arg2: memref<64x2304xf32, #tpu.memory_space<vmem>>, %arg3: memref<2304x128xf32, #tpu.memory_space<vmem>>) attributes {dimension_semantics = [#tpu.dimension_semantics<arbitrary>], iteration_bounds = array<i64: 4>, scalar_prefetch = 0 : i64, scratch_operands = 0 : i64, tpu.core_type = #tpu.core_type<tc>, window_params = [{transform_indices = @transform_0, window_bounds = array<i64: 64, 2304>}, {transform_indices = @transform_1, window_bounds = array<i64: 64, 2304>}, {transform_indices = @transform_2, window_bounds = array<i64: 2304, 128>}]} {
    %get3A = arith.constant 0 : index
    %get3A_0 = arith.constant 0 : index
    %get3A_1 = vector.load %arg1[%get3A, %get3A_0] : memref<64x2304xf32, #tpu.memory_space<vmem>>, vector<64x2304xf32>
    %transpose3A = tpu.transpose %get3A_1, [1, 0] : vector<64x2304xf32> -> vector<2304x64xf32>
    %get3A_2 = arith.constant 0 : index
    %get3A_3 = arith.constant 0 : index
    %get3A_4 = vector.load %arg2[%get3A_2, %get3A_3] : memref<64x2304xf32, #tpu.memory_space<vmem>>, vector<64x2304xf32>
    %transpose3A_5 = tpu.transpose %get3A_4, [1, 0] : vector<64x2304xf32> -> vector<2304x64xf32>
    %concatenate3A = tpu.concatenate %transpose3A, %transpose3A_5 in 1 : vector<2304x64xf32>, vector<2304x64xf32> -> vector<2304x128xf32>
    %swap3A = arith.constant 0 : index
    %swap3A_6 = arith.constant 0 : index
    %swap3A_7 = vector.load %arg3[%swap3A, %swap3A_6] : memref<2304x128xf32, #tpu.memory_space<vmem>>, vector<2304x128xf32>
    tpu.vector_store %arg3[%swap3A, %swap3A_6], %concatenate3A {strides = array<i32>} : memref<2304x128xf32, #tpu.memory_space<vmem>>, vector<2304x128xf32>,
    return
  }
  func.func @transform_0(%arg0: i32) -> (i32, i32) {
    %c0_i32 = arith.constant 0 : i32
    %c0_i32_0 = arith.constant 0 : i32
    return %c0_i32, %arg0 : i32, i32
  }
  func.func @transform_1(%arg0: i32) -> (i32, i32) {
    %c0_i32 = arith.constant 0 : i32
    %c0_i32_0 = arith.constant 0 : i32
    return %c0_i32, %arg0 : i32, i32
  }
  func.func @transform_2(%arg0: i32) -> (i32, i32) {
    %c0_i32 = arith.constant 0 : i32
    %c0_i32_0 = arith.constant 0 : i32
    return %arg0, %c0_i32 : i32, i32
  }
}

module attributes {stable_mosaic.version = 14 : i64} {
  func.func @_unpack_first_body(%arg0: i32, %arg1: memref<2048x128xf32, #tpu.memory_space<vmem>>, %arg2: memref<64x2048xf32, #tpu.memory_space<vmem>>, %arg3: memref<64x2048xf32, #tpu.memory_space<vmem>>) attributes {dimension_semantics = [#tpu.dimension_semantics<arbitrary>], iteration_bounds = array<i64: 8>, scalar_prefetch = 0 : i64, scratch_operands = 0 : i64, tpu.core_type = #tpu.core_type<tc>, window_params = [{transform_indices = @transform_0, window_bounds = array<i64: 2048, 128>}, {transform_indices = @transform_1, window_bounds = array<i64: 64, 2048>}, {transform_indices = @transform_2, window_bounds = array<i64: 64, 2048>}]} {
    %get3A = arith.constant 0 : index
    %get3A_0 = arith.constant 0 : index
    %get3A_1 = vector.load %arg1[%get3A, %get3A_0] : memref<2048x128xf32, #tpu.memory_space<vmem>>, vector<2048x128xf32>
    %transpose3A = tpu.transpose %get3A_1, [1, 0] : vector<2048x128xf32> -> vector<128x2048xf32>
    %slice3A = vector.extract_strided_slice %transpose3A {offsets = [0, 0], sizes = [64, 2048], strides = [1, 1]} : vector<128x2048xf32> to vector<64x2048xf32>
    %swap3A = arith.constant 0 : index
    %swap3A_2 = arith.constant 0 : index
    %swap3A_3 = vector.load %arg2[%swap3A, %swap3A_2] : memref<64x2048xf32, #tpu.memory_space<vmem>>, vector<64x2048xf32>
    tpu.vector_store %arg2[%swap3A, %swap3A_2], %slice3A {strides = array<i32>} : memref<64x2048xf32, #tpu.memory_space<vmem>>, vector<64x2048xf32>,
    %slice3A_4 = vector.extract_strided_slice %transpose3A {offsets = [64, 0], sizes = [64, 2048], strides = [1, 1]} : vector<128x2048xf32> to vector<64x2048xf32>
    %swap3A_5 = arith.constant 0 : index
    %swap3A_6 = arith.constant 0 : index
    %swap3A_7 = vector.load %arg3[%swap3A_5, %swap3A_6] : memref<64x2048xf32, #tpu.memory_space<vmem>>, vector<64x2048xf32>
    tpu.vector_store %arg3[%swap3A_5, %swap3A_6], %slice3A_4 {strides = array<i32>} : memref<64x2048xf32, #tpu.memory_space<vmem>>, vector<64x2048xf32>,
    return
  }
  func.func @transform_0(%arg0: i32) -> (i32, i32) {
    %c0_i32 = arith.constant 0 : i32
    %c0_i32_0 = arith.constant 0 : i32
    return %arg0, %c0_i32 : i32, i32
  }
  func.func @transform_1(%arg0: i32) -> (i32, i32) {
    %add3A = arith.constant 0 : i32
    %add3A_0 = arith.addi %add3A, %arg0 : i32
    %c0_i32 = arith.constant 0 : i32
    %c0_i32_1 = arith.constant 0 : i32
    return %c0_i32, %add3A_0 : i32, i32
  }
  func.func @transform_2(%arg0: i32) -> (i32, i32) {
    %add3A = arith.constant 0 : i32
    %add3A_0 = arith.addi %add3A, %arg0 : i32
    %c0_i32 = arith.constant 0 : i32
    %c0_i32_1 = arith.constant 0 : i32
    return %c0_i32, %add3A_0 : i32, i32
  }
}

</mosaic_0001>

<sc_bundles>
// kernel: rope_gather_0.3.cloned.1.call-start
scs
__scs_entry_jumppad:
0x0: {  	(pc) =	sbr.rel $0x88, $3  }
0x1: {  	(tag) =	ssettag $0x0;
	lr =	simm.s32 $0x1  }
0x2: {  	[smem:$0x3F9E] =	sst lr;
	_ =	strace $0xD0000000  }
0x3: {  	_ = 	snop  }
0x4: {  	_ = 	snop  }
0x5: {  	_ = 	snop  }
0x6: {  	_ = 	snop  }
0x7: {  	_ = 	snop  }
__scs_overlays_trampoline_lowered:
0x8: {  	[smem:$0x3FAD] =	sst s0  }
0x9: {  	[smem:$0x3FAE] =	sst s1  }
0xa: {  	[smem:$0x3FAF] =	sst s2  }
0xb: {  	[smem:$0x3FB0] =	sst s3  }
0xc: {  	[smem:$0x3FB1] =	sst s4  }
0xd: {  	[smem:$0x3FB2] =	sst s5  }
0xe: {  	[smem:$0x3FB3] =	sst s6  }
0xf: {  	[smem:$0x3FB4] =	sst s7  }
0x10: {  	[smem:$0x3FB5] =	sst s8  }
0x11: {  	[smem:$0x3FB6] =	sst s9;
	s0 =	simm.s32 @!p0 $0x0  }
0x12: {  	s1 =	sld [smem:$0x3F9C];
	s0 =	simm.s32 @p0 $0x1  }
0x13: {  	[smem:$0x3FB7] =	sst s0;
	s0 =	simm.s32 @!p1 $0x0  }
0x14: {  	s2 =	sld [smem:$0x3F9B];
	s0 =	simm.s32 @p1 $0x1  }
0x15: {  	[smem:$0x3FB8] =	sst s0;
	s0 =	simm.s32 @!p2 $0x0  }
0x16: {  	s3 =	sld [smem:$0x3FDB];
	s0 =	simm.s32 @p2 $0x1  }
0x17: {  	s4 =	simm.s32 $0x1BF5;
	[smem:$0x3FBA] =	sst s0  }
0x18: {  	s0 =	sld [smem:$0x3F9D];
	_ =	swait.ge [sflag:s4], $0x0  }
0x19: {  	s7 =	sld [smem:$0x3F9E]  }
0x1a: {  	s8 =	sadd.s32 $0xFFFFE003, lr  }
0x1b: {  	s9 =	sadd.s32 $0xFFFFFEF7, lr;
	s5 =	simm.s32 $0xFFFFFFFF;
	p2 =	slt.u32 s8, $0xFFFFF086  }
0x1c: {  	p1 =	slt.u32 s9, $0xF7A;
	s5 =	simm.s32 @!p2 $0x0  }
0x1d: {  	s5 =	simm.s32 @p1 $0x1;
	p0 =	seq.s32 s7, s2  }
0x1e: {  	s7 =	smul.u32 @!p0 $0xF7A, s2;
	p2 =	seq.s32 @!p0 s5, $0x0  }
0x1f: {  	s9 =	smul.u32 $0xF7A, s1;
	s8 =	simm.s32 @!p0 $0x1BF5;
	p2 =	por !p2, p0  }
0x20: {  	[sflag:s8] =	ssyncset.s32 @!p0 $0xFFFFF086;
	s6 =	sadd.s32 @!p0 s3, s7;
	s7 =	simm.s32 @!p0 $0x108  }
0x21: {  	s3 =	sadd.s32 s3, s9;
	s6 =	sadd.s32 @!p0 $0x88, s6;
	s7 =	simm.s32 @p2 $0x1082  }
0x22: {  	[simem:s7], [sflag:s8] =	dma.local @!p0 [hbm:s6], $0xF7A  }
0x23: {  	s9 =	sor.u32 $0xD0000000, s2;
	s6 =	simm.s32 $0x108;
	_ =	swait.ge @!p0 [sflag:s8], $0x0  }
0x24: {  	s3 =	sadd.s32 $0x88, s3;
	s6 =	simm.s32 @!p1 $0x1082;
	[sflag:s4] =	ssyncset.s32 $0xFFFFF086  }
0x25: {  	[simem:s6], [sflag:s4] =	dma.local [hbm:s3], $0xF7A  }
0x26: {  	[smem:$0x3F9E] =	sst s1;
	(tag) =	ssettag s2;
	_ =	strace s9  }
0x27: {  	s1 =	sld [smem:$0x3FAE]  }
0x28: {  	s2 =	sld [smem:$0x3FAF]  }
0x29: {  	s4 =	sld [smem:$0x3FB1]  }
0x2a: {  	p0 =	seq.s32 s5, $0x0;
	s5 =	sld [smem:$0x3FB2]  }
0x2b: {  	s6 =	sld [smem:$0x3FB3]  }
0x2c: {  	s7 =	sld [smem:$0x3FB4]  }
0x2d: {  	s3 =	simm.s32 $0x108;
	s8 =	sld [smem:$0x3FB5]  }
0x2e: {  	s3 =	simm.s32 @!p0 $0x1082;
	s9 =	sld [smem:$0x3FB6]  }
0x2f: {  	lr =	sadd.s32 s0, s3;
	s0 =	sld [smem:$0x3FAD]  }
0x30: {  	s3 =	sld [smem:$0x3FB0]  }
0x31: {  	[smem:$0x3FB9] =	sst s10  }
0x32: {  	s10 =	sld [smem:$0x3FB7];
	_ =	sdelay $0x3  }
0x33: {  	p0 =	seq.s32 s10, $0x1;
	s10 =	sld [smem:$0x3FB9];
	_ =	sdelay $0x3  }
0x34: {  	[smem:$0x3FB9] =	sst s10  }
0x35: {  	s10 =	sld [smem:$0x3FB8];
	_ =	sdelay $0x3  }
0x36: {  	p1 =	seq.s32 s10, $0x1;
	s10 =	sld [smem:$0x3FB9];
	_ =	sdelay $0x3  }
0x37: {  	[smem:$0x3FB9] =	sst s10  }
0x38: {  	s10 =	sld [smem:$0x3FBA]  }
0x39: {  	_ = 	snop;
	(pc) =	sbr.ind lr, $3  }
0x3a: {  	_ = 	snop  }
0x3b: {  	_ = 	snop  }
0x3c: {  	p2 =	seq.s32 s10, $0x1;
	s10 =	sld [smem:$0x3FB9]  }
0x3d: {  	_ =	shalt  }
0x3e: {  	_ =	shalt  }
0x3f: {  	_ =	shalt  }
0x40: {  	_ =	shalt  }
0x41: {  	_ =	shalt  }
0x42: {  	_ =	shalt  }
0x43: {  	_ =	shalt  }
0x44: {  	_ =	shalt  }
0x45: {  	_ =	shalt  }
0x46: {  	_ =	shalt  }
0x47: {  	_ =	shalt  }
0x48: {  	_ =	shalt  }
0x49: {  	_ =	shalt  }
0x4a: {  	_ =	shalt  }
0x4b: {  	_ =	shalt  }
0x4c: {  	_ =	shalt  }
0x4d: {  	_ =	shalt  }
0x4e: {  	_ =	shalt  }
0x4f: {  	_ =	shalt  }
0x50: {  	_ =	shalt  }
0x51: {  	_ =	shalt  }
0x52: {  	_ =	shalt  }
0x53: {  	_ =	shalt  }
0x54: {  	_ =	shalt  }
0x55: {  	_ =	shalt  }
0x56: {  	_ =	shalt  }
0x57: {  	_ =	shalt  }
0x58: {  	_ =	shalt  }
0x59: {  	_ =	shalt  }
0x5a: {  	_ =	shalt  }
0x5b: {  	_ =	shalt  }
0x5c: {  	_ =	shalt  }
0x5d: {  	_ =	shalt  }
0x5e: {  	_ =	shalt  }
0x5f: {  	_ =	shalt  }
0x60: {  	_ =	shalt  }
0x61: {  	_ =	shalt  }
0x62: {  	_ =	shalt  }
0x63: {  	_ =	shalt  }
0x64: {  	_ =	shalt  }
0x65: {  	_ =	shalt  }
0x66: {  	_ =	shalt  }
0x67: {  	_ =	shalt  }
0x68: {  	_ =	shalt  }
0x69: {  	_ =	shalt  }
0x6a: {  	_ =	shalt  }
0x6b: {  	_ =	shalt  }
0x6c: {  	_ =	shalt  }
0x6d: {  	_ =	shalt  }
0x6e: {  	_ =	shalt  }
0x6f: {  	_ =	shalt  }
0x70: {  	_ =	shalt  }
0x71: {  	_ =	shalt  }
0x72: {  	_ =	shalt  }
0x73: {  	_ =	shalt  }
0x74: {  	_ =	shalt  }
0x75: {  	_ =	shalt  }
0x76: {  	_ =	shalt  }
0x77: {  	_ =	shalt  }
0x78: {  	_ =	shalt  }
0x79: {  	_ =	shalt  }
0x7a: {  	_ =	shalt  }
0x7b: {  	_ =	shalt  }
0x7c: {  	_ =	shalt  }
0x7d: {  	_ =	shalt  }
0x7e: {  	_ =	shalt  }
0x7f: {  	_ =	shalt  }
0x80: {  	_ =	shalt  }
0x81: {  	_ =	shalt  }
0x82: {  	_ =	shalt  }
0x83: {  	_ =	shalt  }
0x84: {  	_ =	shalt  }
0x85: {  	_ =	shalt  }
0x86: {  	_ =	shalt  }
0x87: {  	_ =	shalt  }
.Lfunc_end0:
.L_simem_size_0:
called_computation_lowered:
.L_overlay_start_0:
0x88: {  	s2 =	sld [smem:$0x3FD9]  }
0x89: {  	s3 =	sld [smem:$0x3FFE];
	_ =	sdelay $0x1  }
0x8a: {  	s1 =	srdreg.scid  }
0x8b: {  	s0 =	sand.u32 $0x1, s1  }
0x8c: {  	s14 =	sshll.u32 s0, $0xA;
	s2 =	sadd.s32 s3, s2  }
0x8d: {  	s2 =	sadd.s32 s2, s14  }
0x8e: {  	[smem:$0x3FC5] =	sst s2  }
0x8f: {  	_ = 	snop  }
0x90: {  	s2 =	sld [smem:$0x3FD0];
	_ =	sdelay $0x2  }
0x91: {  	s4 =	simm.s32 $0xB;
	s5 =	simm.s32 $0x10;
	s15 =	sld [smem:$0x3FC9]  }
0x92: {  	[smem:s5], [sflag:s4] =	dma.local [hbm:s2], $0x1  }
0x93: {  	_ =	swait.eq [sflag:s4], $0x1  }
0x94: {  	[sflag:s4] =	ssyncset.done $0x0  }
0x95: {  	[sflag:s4] =	ssyncadd.s32 $0xFFFFFFFF  }
0x96: {  	s16 =	sld [smem:$0x11];
	(tm) =	ssettm $0x1  }
0x97: {  	s17 =	sld [smem:$0x3FFB];
	_ =	sdelay $0x3  }
0x98: {  	_ =	strace s17  }
0x99: {  	s4 =	sld [smem:$0x3FFC];
	_ =	sdelay $0x3  }
0x9a: {  	_ =	strace s4  }
0x9b: {  	s4 =	sld [smem:$0x3FFD];
	_ =	sdelay $0x3  }
0x9c: {  	_ =	strace s4  }
0x9d: {  	_ =	strace $0x8FFFFFFF  }
0x9e: {  	s18 =	sld [smem:$0x3FDB];
	_ =	sdelay $0x1  }
0x9f: {  	s19 =	simm.s32 $_scs_section_size  }
0xa0: {  	s6 =	simm.s32 $_size__tile_overlayer_lowered;
	s7 =	simm.s32 $_tile_overlayer_lowered  }
0xa1: {  	s22 =	simm.s32 $0x1BFF;
	s21 =	sshll.u32 s7, $0x1;
	s4 =	sadd.s32 s19, s18  }
0xa2: {  	s8 =	simm.s32 $0x0;
	s20 =	sshll.u32 s6, $0x1;
	s6 =	sadd.s32 s21, s4  }
0xa3: {  	[timem:s8], [sflag:s22] =	dma.local [hbm:s6], s20  }
0xa4: {  	_ =	swait.ge [sflag:s22], s20  }
0xa5: {  	s5 =	ssub.s32 $0x0, s20;
	[sflag:s22] =	ssyncset.done $0x0  }
0xa6: {  	[sflag:s22] =	ssyncadd.s32 s5;
	_ =	sdelay $0x1  }
0xa7: {  	s23 =	simm.s32 $0x1B8B  }
0xa8: {  	_ =	swait.ge [sflag:s23], $0x1  }
0xa9: {  	[sflag:s23] =	ssyncset.done $0x0  }
0xaa: {  	s25 =	simm.s32 $0x1B8E;
	s24 =	sld [smem:$0x3FFE];
	[sflag:s23] =	ssyncadd.s32 $0xFFFFFFFF  }
0xab: {  	s26 =	simm.s32 $execute0_lowered;
	[smem:$0x3FD2] =	sst s25  }
0xac: {  	s6 =	sshll.u32 s26, $0x1;
	_ =	strace $0x80000046;
	[dreg:$0x1] =	wrdreg $0xFFFFFFFF  }
0xad: {  	s28 =	simm.s32 $_size_execute0_lowered;
	s4 =	sadd.s32 s4, s6;
	[dreg:$0x0] =	wrdreg $0x0  }
0xae: {  	s6 =	sshll.u32 s28, $0x1;
	[dreg:$0x2] =	wrdreg s4  }
0xaf: {  	[dreg:$0x3] =	wrdreg s6  }
0xb0: {  	[dreg:$0x4] =	wrdreg $0xC0  }
0xb1: {  	_ =	task [dreg:s8], $0x5FFFF  }
0xb2: {  	[dreg:$0x1] =	wrdreg $0xFFFFFFFF  }
0xb3: {  	[dreg:$0x0] =	wrdreg $0x60  }
0xb4: {  	[dreg:$0x2] =	wrdreg s15  }
0xb5: {  	[dreg:$0x3] =	wrdreg s24  }
0xb6: {  	[dreg:$0x4] =	wrdreg s16  }
0xb7: {  	[dreg:$0x5] =	wrdreg $0x9  }
0xb8: {  	_ =	task.clear_ibuf [dreg:s8], $0x6FFFF;
	_ =	strace $0x90000046  }
0xb9: {  	s29 =	simm.s32 $0x9;
	_ =	strace $0x80000048  }
0xba: {  	_ =	swait.ge [sflag:s29], $0x1  }
0xbb: {  	[sflag:s29] =	ssyncadd.s32 $0xFFFFFFFF  }
0xbc: {  	_ =	strace $0x90000048  }
0xbd: {  	_ =	sfence  }
0xbe: {  	s30 =	sld [smem:$0x0];
	_ =	sdelay $0x2  }
0xbf: {  	s31 =	sshll.u32 s1, $0xD;
	s1 =	sshrl.u32 s1, $0x2  }
0xc0: {  	s3 =	sand.u32 $0x4000, s31;
	s1 =	sadd.s32 s1, s30  }
0xc1: {  	s0 =	sor.u32 s3, s0;
	s1 =	sshll.u32 s1, $0x11  }
0xc2: {  	s0 =	sor.u32 s1, s0  }
0xc3: {  	s0 =	sadd.s32 $0x8F2B, s0  }
0xc4: {  	[sflag:s0] =	ssyncadd.remote.s32 $0x1  }
0xc5: {  	_ =	sfence.sel $0xFFFF  }
0xc6: {  	[dreg:$0x0] =	wrdreg $0xFFFFFFFF;
	(pc) =	sbr.abs _section_cstart, $3  }
0xc7: {  	[dreg:$0x1] =	wrdreg $0xFFFFFFFF  }
0xc8: {  	_ =	task.clear_ibuf [dreg:s8], $0x2FFFF;
	_ =	strace $0x9FFFFFFF  }
0xc9: {  	(tm) =	ssettm $0x7FFFFFFF  }
tec
execute0_lowered:
.L_overlay_start_1:
0x0: {  	(tag) =	ssettag $0x1  }
0x1: {  	s3 =	rddreg [dreg:$0x0];
	s1 =	srdreg.scid  }
0x2: {  	s5 =	rddreg [dreg:$0x1];
	s0 =	stileid.u32;
	s12 =	sand.u32 $0x1, s1  }
0x3: {  	s10 =	rddreg [dreg:$0x2];
	s4 =	sshll.u32 s0, $0xA;
	s6 =	sshll.u32 s12, $0x9  }
0x4: {  	s2 =	simm.s32 $0x0;
	s1 =	rddreg [dreg:$0x3];
	s11 =	sor.u32 s6, s4  }
0x5: {  	[smem:$0x7FF] =	sst s2;
	s4 =	sshrl.u32 s11, $0x3  }
0x6: {  	_ =	strace $0x80000047;
	s3 =	sadd.s32 s3, s4;
	s4 =	simm.s32 $0x5  }
0x7: {  	[tilespmem:s2], [sflag:$0x5] =	stream.linear.gather [hbm4b:s3+s2], $0x200, $0x38;
	[tilespmem:$0x10200] =	vst v63  }
0x8: {  	_ =	swait.ge [sflag:s4], $0x200  }
0x9: {  	s7 =	simm.s32 $0x200;
	[sflag:s4] =	ssyncset.done $0x0  }
0xa: {  	s5 =	sadd.s32 $0x1600, s5;
	s6 =	simm.s32 $0x100;
	[sflag:s4] =	ssyncadd.s32 $0xFFFFFE00  }
0xb: {  	[tilespmem:s7], [sflag:$0x1] =	stream.indirect.gather [hbm4b:s5+s6], $0x80, s2, s6, $0xb8;
	[tilespmem:$0x10200] =	vst v63  }
0xc: {  	s8 =	simm.s32 $0x8200;
	s9 =	simm.s32 $0x1  }
0xd: {  	[tilespmem:s8], [sflag:$0x2] =	stream.indirect.gather [hbm4b:s5+s6], $0x80, s6, s6, $0xb8;
	[tilespmem:$0x10200] =	vst v63  }
0xe: {  	s14 =	ssub.s32 $0x2, s12;
	_ =	swait.ge [sflag:s9], $0x8000  }
0xf: {  	s15 =	sshrl.u32 s14, $0x1;
	s11 =	sshll.u32 s11, $0x4;
	[sflag:s9] =	ssyncset.done $0x0  }
0x10: {  	s10 =	sadd.s32 s10, s11;
	s11 =	simm.s32 $0x2;
	[sflag:s9] =	ssyncadd.s32 $0xFFFF8000  }
0x11: {  	[hbm4b:s10+s2] =	stream.linear.scatter [tilespmem:s7], [sflag:$0x3], $0x8000, $0x38;
	[tilespmem:$0x10200] =	vst v63  }
0x12: {  	s14 =	ssub.s32 s14, s15;
	_ =	swait.ge [sflag:s11], $0x8000  }
0x13: {  	s13 =	simm.s32 $0x3;
	s15 =	smax.u32 s14, $0x1;
	[sflag:s11] =	ssyncset.done $0x0  }
0x14: {  	s12 =	sadd.s32 $0x1000, s10;
	p0 =	sne.s32 s15, $0x1;
	[sflag:s11] =	ssyncadd.s32 $0xFFFF8000  }
0x15: {  	[hbm4b:s12+s2] =	stream.linear.scatter [tilespmem:s8], [sflag:$0x4], $0x8000, $0x38;
	[tilespmem:$0x10200] =	vst v63  }
.Ltmp0:
0x16: {  	_ =	swait.ge [sflag:s13], $0x8000;
	(pc) =	sbr.rel @!p0 .LBB2_2-.Ltmp0, $4  }
0x17: {  	[sflag:s13] =	ssyncset.done $0x0  }
0x18: {  	s14 =	simm.s32 $0x4;
	[sflag:s13] =	ssyncadd.s32 $0xFFFF8000  }
0x19: {  	_ =	swait.ge [sflag:s14], $0x8000  }
0x1a: {  	s15 =	sadd.s32 $0xFFFFFFFF, s15;
	[sflag:s14] =	ssyncset.done $0x0  }
.LBB2_1:
0x1b: {  	p0 =	sne.s32 s15, $0x1;
	s15 =	sadd.s32 $0xFFFFFFFF, s15;
	[sflag:s14] =	ssyncadd.s32 $0xFFFF8000  }
0x1c: {  	[tilespmem:s2], [sflag:$0x5] =	stream.linear.gather [hbm4b:s3+s2], $0x200, $0x38;
	[tilespmem:$0x10200] =	vst v63  }
0x1d: {  	_ =	swait.ge [sflag:s4], $0x200  }
0x1e: {  	[sflag:s4] =	ssyncset.done $0x0  }
0x1f: {  	[sflag:s4] =	ssyncadd.s32 $0xFFFFFE00  }
0x20: {  	[tilespmem:s7], [sflag:$0x1] =	stream.indirect.gather [hbm4b:s5+s6], $0x80, s2, s6, $0xb8;
	[tilespmem:$0x10200] =	vst v63  }
0x21: {  	_ = 	snop  }
0x22: {  	[tilespmem:s8], [sflag:$0x2] =	stream.indirect.gather [hbm4b:s5+s6], $0x80, s6, s6, $0xb8;
	[tilespmem:$0x10200] =	vst v63  }
0x23: {  	_ =	swait.ge [sflag:s9], $0x8000  }
0x24: {  	[sflag:s9] =	ssyncset.done $0x0  }
0x25: {  	[sflag:s9] =	ssyncadd.s32 $0xFFFF8000  }
0x26: {  	[hbm4b:s10+s2] =	stream.linear.scatter [tilespmem:s7], [sflag:$0x3], $0x8000, $0x38;
	[tilespmem:$0x10200] =	vst v63  }
0x27: {  	_ =	swait.ge [sflag:s11], $0x8000  }
0x28: {  	[sflag:s11] =	ssyncset.done $0x0  }
0x29: {  	[sflag:s11] =	ssyncadd.s32 $0xFFFF8000  }
0x2a: {  	[hbm4b:s12+s2] =	stream.linear.scatter [tilespmem:s8], [sflag:$0x4], $0x8000, $0x38;
	[tilespmem:$0x10200] =	vst v63  }
.Ltmp1:
0x2b: {  	_ =	swait.ge [sflag:s13], $0x8000;
	(pc) =	sbr.rel @p0 .LBB2_1-.Ltmp1, $4  }
0x2c: {  	[sflag:s13] =	ssyncset.done $0x0  }
0x2d: {  	[sflag:s13] =	ssyncadd.s32 $0xFFFF8000  }
0x2e: {  	_ =	swait.ge [sflag:s14], $0x8000  }
0x2f: {  	[sflag:s14] =	ssyncset.done $0x0  }
.LBB2_2:
0x30: {  	[sflag:s14] =	ssyncadd.s32 $0xFFFF8000  }
0x31: {  	_ =	sfence.sel $0x180000  }
0x32: {  	[bflag:$0x0] =	sbarrier.arrive $0xFFFF  }
0x33: {  	p0 =	sne.s32 s0, $0x0;
	_ =	strace $0x90000047  }
0x34: {  	s0 =	sadd.s32 @!p0 $0x100000, s1;
	[bflag:$0x2] =	sbarrier.arrive $0xFFFF  }
0x35: {  	[sflag:s0] =	ssyncadd.tile.s32 @!p0 $0x1;
	_ =	shalt  }
.Lfunc_end2:
_tile_overlayer_lowered:
.L_overlay_start_2:
0x36: {  	(tag) =	ssettag $0x2  }
0x37: {  	s0 =	rddreg [dreg:$0x0];
	s2 =	stileid.u32  }
0x38: {  	s1 =	rddreg [dreg:$0x1];
	p0 =	sne.s32 s2, $0x0  }
0x39: {  	s3 =	rddreg [dreg:$0x2];
	[bflag:$0x3] =	sbarrier.arrive $0xFFFF;
	s2 =	simm.s32 @!p0 $0x1C05  }
0x3a: {  	[timem:s3], [sflag:s2] =	dma.local @!p0 [hbm:s0], s1  }
0x3b: {  	s0 =	simm.s32 @!p0 $0x5  }
0x3c: {  	_ =	swait.ge @!p0 [sflag:s0], s1  }
0x3d: {  	s1 =	ssub.s32 @!p0 $0x0, s1;
	[sflag:s0] =	ssyncset.done @!p0 $0x0  }
0x3e: {  	[sflag:s0] =	ssyncadd.s32 @!p0 s1  }
0x3f: {  	[bflag:$0x3] =	sbarrier.arrive $0xFFFF  }
0x40: {  	_ =	shalt  }

// kernel: rope_gather_1.3.cloned.1.call-start
scs
__scs_entry_jumppad:
0x0: {  	(pc) =	sbr.rel $0x88, $3  }
0x1: {  	(tag) =	ssettag $0x0;
	lr =	simm.s32 $0x1  }
0x2: {  	[smem:$0x3F9E] =	sst lr;
	_ =	strace $0xD0000000  }
0x3: {  	_ = 	snop  }
0x4: {  	_ = 	snop  }
0x5: {  	_ = 	snop  }
0x6: {  	_ = 	snop  }
0x7: {  	_ = 	snop  }
__scs_overlays_trampoline_lowered:
0x8: {  	[smem:$0x3FAD] =	sst s0  }
0x9: {  	[smem:$0x3FAE] =	sst s1  }
0xa: {  	[smem:$0x3FAF] =	sst s2  }
0xb: {  	[smem:$0x3FB0] =	sst s3  }
0xc: {  	[smem:$0x3FB1] =	sst s4  }
0xd: {  	[smem:$0x3FB2] =	sst s5  }
0xe: {  	[smem:$0x3FB3] =	sst s6  }
0xf: {  	[smem:$0x3FB4] =	sst s7  }
0x10: {  	[smem:$0x3FB5] =	sst s8  }
0x11: {  	[smem:$0x3FB6] =	sst s9;
	s0 =	simm.s32 @!p0 $0x0  }
0x12: {  	s1 =	sld [smem:$0x3F9C];
	s0 =	simm.s32 @p0 $0x1  }
0x13: {  	[smem:$0x3FB7] =	sst s0;
	s0 =	simm.s32 @!p1 $0x0  }
0x14: {  	s2 =	sld [smem:$0x3F9B];
	s0 =	simm.s32 @p1 $0x1  }
0x15: {  	[smem:$0x3FB8] =	sst s0;
	s0 =	simm.s32 @!p2 $0x0  }
0x16: {  	s3 =	sld [smem:$0x3FDB];
	s0 =	simm.s32 @p2 $0x1  }
0x17: {  	s4 =	simm.s32 $0x1BF5;
	[smem:$0x3FBA] =	sst s0  }
0x18: {  	s0 =	sld [smem:$0x3F9D];
	_ =	swait.ge [sflag:s4], $0x0  }
0x19: {  	s7 =	sld [smem:$0x3F9E]  }
0x1a: {  	s8 =	sadd.s32 $0xFFFFE003, lr  }
0x1b: {  	s9 =	sadd.s32 $0xFFFFFEF7, lr;
	s5 =	simm.s32 $0xFFFFFFFF;
	p2 =	slt.u32 s8, $0xFFFFF086  }
0x1c: {  	p1 =	slt.u32 s9, $0xF7A;
	s5 =	simm.s32 @!p2 $0x0  }
0x1d: {  	s5 =	simm.s32 @p1 $0x1;
	p0 =	seq.s32 s7, s2  }
0x1e: {  	s7 =	smul.u32 @!p0 $0xF7A, s2;
	p2 =	seq.s32 @!p0 s5, $0x0  }
0x1f: {  	s9 =	smul.u32 $0xF7A, s1;
	s8 =	simm.s32 @!p0 $0x1BF5;
	p2 =	por !p2, p0  }
0x20: {  	[sflag:s8] =	ssyncset.s32 @!p0 $0xFFFFF086;
	s6 =	sadd.s32 @!p0 s3, s7;
	s7 =	simm.s32 @!p0 $0x108  }
0x21: {  	s3 =	sadd.s32 s3, s9;
	s6 =	sadd.s32 @!p0 $0x88, s6;
	s7 =	simm.s32 @p2 $0x1082  }
0x22: {  	[simem:s7], [sflag:s8] =	dma.local @!p0 [hbm:s6], $0xF7A  }
0x23: {  	s9 =	sor.u32 $0xD0000000, s2;
	s6 =	simm.s32 $0x108;
	_ =	swait.ge @!p0 [sflag:s8], $0x0  }
0x24: {  	s3 =	sadd.s32 $0x88, s3;
	s6 =	simm.s32 @!p1 $0x1082;
	[sflag:s4] =	ssyncset.s32 $0xFFFFF086  }
0x25: {  	[simem:s6], [sflag:s4] =	dma.local [hbm:s3], $0xF7A  }
0x26: {  	[smem:$0x3F9E] =	sst s1;
	(tag) =	ssettag s2;
	_ =	strace s9  }
0x27: {  	s1 =	sld [smem:$0x3FAE]  }
0x28: {  	s2 =	sld [smem:$0x3FAF]  }
0x29: {  	s4 =	sld [smem:$0x3FB1]  }
0x2a: {  	p0 =	seq.s32 s5, $0x0;
	s5 =	sld [smem:$0x3FB2]  }
0x2b: {  	s6 =	sld [smem:$0x3FB3]  }
0x2c: {  	s7 =	sld [smem:$0x3FB4]  }
0x2d: {  	s3 =	simm.s32 $0x108;
	s8 =	sld [smem:$0x3FB5]  }
0x2e: {  	s3 =	simm.s32 @!p0 $0x1082;
	s9 =	sld [smem:$0x3FB6]  }
0x2f: {  	lr =	sadd.s32 s0, s3;
	s0 =	sld [smem:$0x3FAD]  }
0x30: {  	s3 =	sld [smem:$0x3FB0]  }
0x31: {  	[smem:$0x3FB9] =	sst s10  }
0x32: {  	s10 =	sld [smem:$0x3FB7];
	_ =	sdelay $0x3  }
0x33: {  	p0 =	seq.s32 s10, $0x1;
	s10 =	sld [smem:$0x3FB9];
	_ =	sdelay $0x3  }
0x34: {  	[smem:$0x3FB9] =	sst s10  }
0x35: {  	s10 =	sld [smem:$0x3FB8];
	_ =	sdelay $0x3  }
0x36: {  	p1 =	seq.s32 s10, $0x1;
	s10 =	sld [smem:$0x3FB9];
	_ =	sdelay $0x3  }
0x37: {  	[smem:$0x3FB9] =	sst s10  }
0x38: {  	s10 =	sld [smem:$0x3FBA]  }
0x39: {  	_ = 	snop;
	(pc) =	sbr.ind lr, $3  }
0x3a: {  	_ = 	snop  }
0x3b: {  	_ = 	snop  }
0x3c: {  	p2 =	seq.s32 s10, $0x1;
	s10 =	sld [smem:$0x3FB9]  }
0x3d: {  	_ =	shalt  }
0x3e: {  	_ =	shalt  }
0x3f: {  	_ =	shalt  }
0x40: {  	_ =	shalt  }
0x41: {  	_ =	shalt  }
0x42: {  	_ =	shalt  }
0x43: {  	_ =	shalt  }
0x44: {  	_ =	shalt  }
0x45: {  	_ =	shalt  }
0x46: {  	_ =	shalt  }
0x47: {  	_ =	shalt  }
0x48: {  	_ =	shalt  }
0x49: {  	_ =	shalt  }
0x4a: {  	_ =	shalt  }
0x4b: {  	_ =	shalt  }
0x4c: {  	_ =	shalt  }
0x4d: {  	_ =	shalt  }
0x4e: {  	_ =	shalt  }
0x4f: {  	_ =	shalt  }
0x50: {  	_ =	shalt  }
0x51: {  	_ =	shalt  }
0x52: {  	_ =	shalt  }
0x53: {  	_ =	shalt  }
0x54: {  	_ =	shalt  }
0x55: {  	_ =	shalt  }
0x56: {  	_ =	shalt  }
0x57: {  	_ =	shalt  }
0x58: {  	_ =	shalt  }
0x59: {  	_ =	shalt  }
0x5a: {  	_ =	shalt  }
0x5b: {  	_ =	shalt  }
0x5c: {  	_ =	shalt  }
0x5d: {  	_ =	shalt  }
0x5e: {  	_ =	shalt  }
0x5f: {  	_ =	shalt  }
0x60: {  	_ =	shalt  }
0x61: {  	_ =	shalt  }
0x62: {  	_ =	shalt  }
0x63: {  	_ =	shalt  }
0x64: {  	_ =	shalt  }
0x65: {  	_ =	shalt  }
0x66: {  	_ =	shalt  }
0x67: {  	_ =	shalt  }
0x68: {  	_ =	shalt  }
0x69: {  	_ =	shalt  }
0x6a: {  	_ =	shalt  }
0x6b: {  	_ =	shalt  }
0x6c: {  	_ =	shalt  }
0x6d: {  	_ =	shalt  }
0x6e: {  	_ =	shalt  }
0x6f: {  	_ =	shalt  }
0x70: {  	_ =	shalt  }
0x71: {  	_ =	shalt  }
0x72: {  	_ =	shalt  }
0x73: {  	_ =	shalt  }
0x74: {  	_ =	shalt  }
0x75: {  	_ =	shalt  }
0x76: {  	_ =	shalt  }
0x77: {  	_ =	shalt  }
0x78: {  	_ =	shalt  }
0x79: {  	_ =	shalt  }
0x7a: {  	_ =	shalt  }
0x7b: {  	_ =	shalt  }
0x7c: {  	_ =	shalt  }
0x7d: {  	_ =	shalt  }
0x7e: {  	_ =	shalt  }
0x7f: {  	_ =	shalt  }
0x80: {  	_ =	shalt  }
0x81: {  	_ =	shalt  }
0x82: {  	_ =	shalt  }
0x83: {  	_ =	shalt  }
0x84: {  	_ =	shalt  }
0x85: {  	_ =	shalt  }
0x86: {  	_ =	shalt  }
0x87: {  	_ =	shalt  }
.Lfunc_end0:
.L_simem_size_0:
called_computation.1_lowered:
.L_overlay_start_0:
0x88: {  	s2 =	sld [smem:$0x3FD9]  }
0x89: {  	s3 =	sld [smem:$0x3FFE];
	_ =	sdelay $0x1  }
0x8a: {  	s1 =	srdreg.scid  }
0x8b: {  	s0 =	sand.u32 $0x1, s1  }
0x8c: {  	s17 =	sshll.u32 s0, $0xA;
	s2 =	sadd.s32 s3, s2  }
0x8d: {  	s2 =	sadd.s32 s2, s17  }
0x8e: {  	[smem:$0x3FC5] =	sst s2  }
0x8f: {  	_ = 	snop  }
0x90: {  	s18 =	sld [smem:$0x3FC9];
	(tm) =	ssettm $0x1  }
0x91: {  	s19 =	sld [smem:$0x3FFB];
	_ =	sdelay $0x3  }
0x92: {  	_ =	strace s19  }
0x93: {  	s2 =	sld [smem:$0x3FFC];
	_ =	sdelay $0x3  }
0x94: {  	_ =	strace s2  }
0x95: {  	s2 =	sld [smem:$0x3FFD];
	_ =	sdelay $0x3  }
0x96: {  	_ =	strace s2  }
0x97: {  	_ =	strace $0x8FFFFFFF  }
0x98: {  	s20 =	sld [smem:$0x3FDB];
	_ =	sdelay $0x1  }
0x99: {  	s4 =	simm.s32 $_scs_section_size  }
0x9a: {  	s5 =	simm.s32 $_size__tile_overlayer_lowered;
	s6 =	simm.s32 $_tile_overlayer_lowered  }
0x9b: {  	s7 =	simm.s32 $0x1BFF;
	s21 =	sshll.u32 s6, $0x1;
	s4 =	sadd.s32 s4, s20  }
0x9c: {  	s22 =	simm.s32 $0x0;
	s5 =	sshll.u32 s5, $0x1;
	s6 =	sadd.s32 s21, s4  }
0x9d: {  	[timem:s22], [sflag:s7] =	dma.local [hbm:s6], s5  }
0x9e: {  	_ =	swait.ge [sflag:s7], s5  }
0x9f: {  	s5 =	ssub.s32 $0x0, s5;
	[sflag:s7] =	ssyncset.done $0x0  }
0xa0: {  	[sflag:s7] =	ssyncadd.s32 s5;
	_ =	sdelay $0x1  }
0xa1: {  	s23 =	simm.s32 $0x1B8B  }
0xa2: {  	_ =	swait.ge [sflag:s23], $0x1  }
0xa3: {  	[sflag:s23] =	ssyncset.done $0x0  }
0xa4: {  	[sflag:s23] =	ssyncadd.s32 $0xFFFFFFFF  }
0xa5: {  	s5 =	sld [smem:$0x0]  }
0xa6: {  	s6 =	sand.u32 $0xFFFFFFFE, s1  }
0xa7: {  	p0 =	sne.s32 s1, s6  }
0xa8: {  	s6 =	sshll.u32 @p0 s6, $0xE  }
0xa9: {  	s6 =	sadd.s32 @p0 $0x11B8D, s6;
	s7 =	sshll.u32 @p0 s5, $0x11  }
0xaa: {  	s6 =	sor.u32 @p0 s7, s6  }
0xab: {  	[sflag:s6] =	ssyncadd.remote.s32 @p0 $0x1;
	_ =	sdelay $0x1  }
0xac: {  	s6 =	simm.s32 @p0 $0x1B8D  }
0xad: {  	_ =	swait.eq @p0 [sflag:s6], $0x1  }
0xae: {  	[sflag:s6] =	ssyncadd.s32 @p0 $0xFFFFFFFF  }
0xaf: {  	s7 =	sshll.u32 @!p0 s1, $0xE  }
0xb0: {  	s7 =	sor.u32 @!p0 $0x4000, s7;
	s6 =	simm.s32 @!p0 $0x1B8D  }
0xb1: {  	s5 =	sshll.u32 @!p0 s5, $0x11;
	s7 =	sadd.s32 @!p0 $0x11B8D, s7;
	_ =	swait.eq @!p0 [sflag:s6], $0x1  }
0xb2: {  	s5 =	sor.u32 @!p0 s5, s7;
	[sflag:s6] =	ssyncadd.s32 @!p0 $0xFFFFFFFF  }
0xb3: {  	s25 =	simm.s32 $0x1B8E;
	s24 =	sld [smem:$0x3FFE];
	[sflag:s5] =	ssyncadd.remote.s32 @!p0 $0x1  }
0xb4: {  	s26 =	simm.s32 $execute0_lowered;
	[smem:$0x3FD2] =	sst s25  }
0xb5: {  	s6 =	sshll.u32 s26, $0x1;
	_ =	strace $0x80000049;
	[dreg:$0x1] =	wrdreg $0xFFFFFFFF  }
0xb6: {  	s28 =	simm.s32 $_size_execute0_lowered;
	s4 =	sadd.s32 s4, s6;
	[dreg:$0x0] =	wrdreg $0x0  }
0xb7: {  	s6 =	sshll.u32 s28, $0x1;
	[dreg:$0x2] =	wrdreg s4  }
0xb8: {  	[dreg:$0x3] =	wrdreg s6  }
0xb9: {  	[dreg:$0x4] =	wrdreg $0xC0  }
0xba: {  	_ =	task [dreg:s22], $0x5FFFF  }
0xbb: {  	[dreg:$0x1] =	wrdreg $0xFFFFFFFF  }
0xbc: {  	[dreg:$0x0] =	wrdreg $0x60  }
0xbd: {  	[dreg:$0x2] =	wrdreg s18  }
0xbe: {  	[dreg:$0x3] =	wrdreg s24  }
0xbf: {  	[dreg:$0x4] =	wrdreg $0xA  }
0xc0: {  	_ =	task.clear_ibuf [dreg:s22], $0x5FFFF;
	_ =	strace $0x90000049  }
0xc1: {  	s29 =	simm.s32 $0xA;
	_ =	strace $0x8000004B  }
0xc2: {  	_ =	swait.ge [sflag:s29], $0x1  }
0xc3: {  	[sflag:s29] =	ssyncadd.s32 $0xFFFFFFFF  }
0xc4: {  	_ =	strace $0x9000004B  }
0xc5: {  	_ =	sfence  }
0xc6: {  	s30 =	sld [smem:$0x0];
	_ =	sdelay $0x2  }
0xc7: {  	s31 =	sshll.u32 s1, $0xD;
	s1 =	sshrl.u32 s1, $0x2  }
0xc8: {  	s4 =	sand.u32 $0x4000, s31;
	s1 =	sadd.s32 s1, s30  }
0xc9: {  	s0 =	sor.u32 s4, s0;
	s1 =	sshll.u32 s1, $0x11  }
0xca: {  	s0 =	sor.u32 s1, s0  }
0xcb: {  	s0 =	sadd.s32 $0x8F2B, s0  }
0xcc: {  	[sflag:s0] =	ssyncadd.remote.s32 $0x1  }
0xcd: {  	_ =	sfence.sel $0xFFFF  }
0xce: {  	[dreg:$0x0] =	wrdreg $0xFFFFFFFF;
	(pc) =	sbr.abs _section_cstart, $3  }
0xcf: {  	[dreg:$0x1] =	wrdreg $0xFFFFFFFF  }
0xd0: {  	_ =	task.clear_ibuf [dreg:s22], $0x2FFFF;
	_ =	strace $0x9FFFFFFF  }
0xd1: {  	(tm) =	ssettm $0x7FFFFFFF  }
tec
execute0_lowered:
.L_overlay_start_1:
0x0: {  	(tag) =	ssettag $0x1  }
0x1: {  	s1 =	srdreg.scid  }
0x2: {  	s0 =	stileid.u32;
	s12 =	sand.u32 $0x1, s1  }
0x3: {  	s3 =	rddreg [dreg:$0x0];
	s31 =	sshll.u32 s0, $0xA;
	s2 =	sshll.u32 s12, $0x9  }
0x4: {  	s10 =	rddreg [dreg:$0x1];
	s11 =	sor.u32 s2, s31  }
0x5: {  	s1 =	rddreg [dreg:$0x2];
	s2 =	simm.s32 $0x0;
	s4 =	sshrl.u32 s11, $0x3  }
0x6: {  	[smem:$0x7FF] =	sst s2;
	s3 =	sadd.s32 s4, s3  }
0x7: {  	_ =	strace $0x8000004A;
	s4 =	simm.s32 $0x5;
	s3 =	sadd.s32 $0x800, s3  }
0x8: {  	[tilespmem:s2], [sflag:$0x5] =	stream.linear.gather [hbm4b:s3+s2], $0x200, $0x38;
	[tilespmem:$0x10200] =	vst v63  }
0x9: {  	_ =	swait.ge [sflag:s4], $0x200  }
0xa: {  	s6 =	simm.s32 $0x100;
	[sflag:s4] =	ssyncset.done $0x0  }
0xb: {  	s7 =	simm.s32 $0x200;
	s5 =	sadd.s32 $0x1600, s10;
	[sflag:s4] =	ssyncadd.s32 $0xFFFFFE00  }
0xc: {  	[tilespmem:s7], [sflag:$0x1] =	stream.indirect.gather [hbm4b:s5+s6], $0x80, s2, s6, $0xb8;
	[tilespmem:$0x10200] =	vst v63  }
0xd: {  	s8 =	simm.s32 $0x8200;
	s9 =	simm.s32 $0x1  }
0xe: {  	[tilespmem:s8], [sflag:$0x2] =	stream.indirect.gather [hbm4b:s5+s6], $0x80, s6, s6, $0xb8;
	[tilespmem:$0x10200] =	vst v63  }
0xf: {  	s14 =	ssub.s32 $0x2, s12;
	s11 =	sshll.u32 s11, $0x4;
	_ =	swait.ge [sflag:s9], $0x8000  }
0x10: {  	s15 =	sshrl.u32 s14, $0x1;
	s13 =	sadd.s32 s11, s10;
	[sflag:s9] =	ssyncset.done $0x0  }
0x11: {  	s11 =	simm.s32 $0x2;
	s10 =	sadd.s32 $0x25600, s13;
	[sflag:s9] =	ssyncadd.s32 $0xFFFF8000  }
0x12: {  	[hbm4b:s10+s2] =	stream.linear.scatter [tilespmem:s7], [sflag:$0x3], $0x8000, $0x38;
	[tilespmem:$0x10200] =	vst v63  }
0x13: {  	s14 =	ssub.s32 s14, s15;
	_ =	swait.ge [sflag:s11], $0x8000  }
0x14: {  	s15 =	smax.u32 s14, $0x1;
	s12 =	sadd.s32 $0x26600, s13;
	[sflag:s11] =	ssyncset.done $0x0  }
0x15: {  	s13 =	simm.s32 $0x3;
	p0 =	sne.s32 s15, $0x1;
	[sflag:s11] =	ssyncadd.s32 $0xFFFF8000  }
0x16: {  	[hbm4b:s12+s2] =	stream.linear.scatter [tilespmem:s8], [sflag:$0x4], $0x8000, $0x38;
	[tilespmem:$0x10200] =	vst v63  }
.Ltmp0:
0x17: {  	_ =	swait.ge [sflag:s13], $0x8000;
	(pc) =	sbr.rel @!p0 .LBB2_2-.Ltmp0, $4  }
0x18: {  	[sflag:s13] =	ssyncset.done $0x0  }
0x19: {  	s14 =	simm.s32 $0x4;
	[sflag:s13] =	ssyncadd.s32 $0xFFFF8000  }
0x1a: {  	_ =	swait.ge [sflag:s14], $0x8000  }
0x1b: {  	s15 =	sadd.s32 $0xFFFFFFFF, s15;
	[sflag:s14] =	ssyncset.done $0x0  }
.LBB2_1:
0x1c: {  	p0 =	sne.s32 s15, $0x1;
	s15 =	sadd.s32 $0xFFFFFFFF, s15;
	[sflag:s14] =	ssyncadd.s32 $0xFFFF8000  }
0x1d: {  	[tilespmem:s2], [sflag:$0x5] =	stream.linear.gather [hbm4b:s3+s2], $0x200, $0x38;
	[tilespmem:$0x10200] =	vst v63  }
0x1e: {  	_ =	swait.ge [sflag:s4], $0x200  }
0x1f: {  	[sflag:s4] =	ssyncset.done $0x0  }
0x20: {  	[sflag:s4] =	ssyncadd.s32 $0xFFFFFE00  }
0x21: {  	[tilespmem:s7], [sflag:$0x1] =	stream.indirect.gather [hbm4b:s5+s6], $0x80, s2, s6, $0xb8;
	[tilespmem:$0x10200] =	vst v63  }
0x22: {  	_ = 	snop  }
0x23: {  	[tilespmem:s8], [sflag:$0x2] =	stream.indirect.gather [hbm4b:s5+s6], $0x80, s6, s6, $0xb8;
	[tilespmem:$0x10200] =	vst v63  }
0x24: {  	_ =	swait.ge [sflag:s9], $0x8000  }
0x25: {  	[sflag:s9] =	ssyncset.done $0x0  }
0x26: {  	[sflag:s9] =	ssyncadd.s32 $0xFFFF8000  }
0x27: {  	[hbm4b:s10+s2] =	stream.linear.scatter [tilespmem:s7], [sflag:$0x3], $0x8000, $0x38;
	[tilespmem:$0x10200] =	vst v63  }
0x28: {  	_ =	swait.ge [sflag:s11], $0x8000  }
0x29: {  	[sflag:s11] =	ssyncset.done $0x0  }
0x2a: {  	[sflag:s11] =	ssyncadd.s32 $0xFFFF8000  }
0x2b: {  	[hbm4b:s12+s2] =	stream.linear.scatter [tilespmem:s8], [sflag:$0x4], $0x8000, $0x38;
	[tilespmem:$0x10200] =	vst v63  }
.Ltmp1:
0x2c: {  	_ =	swait.ge [sflag:s13], $0x8000;
	(pc) =	sbr.rel @p0 .LBB2_1-.Ltmp1, $4  }
0x2d: {  	[sflag:s13] =	ssyncset.done $0x0  }
0x2e: {  	[sflag:s13] =	ssyncadd.s32 $0xFFFF8000  }
0x2f: {  	_ =	swait.ge [sflag:s14], $0x8000  }
0x30: {  	[sflag:s14] =	ssyncset.done $0x0  }
.LBB2_2:
0x31: {  	[sflag:s14] =	ssyncadd.s32 $0xFFFF8000  }
0x32: {  	_ =	sfence.sel $0x180000  }
0x33: {  	[bflag:$0x0] =	sbarrier.arrive $0xFFFF  }
0x34: {  	p0 =	sne.s32 s0, $0x0;
	_ =	strace $0x9000004A  }
0x35: {  	s0 =	sadd.s32 @!p0 $0x100000, s1;
	[bflag:$0x2] =	sbarrier.arrive $0xFFFF  }
0x36: {  	[sflag:s0] =	ssyncadd.tile.s32 @!p0 $0x1;
	_ =	shalt  }
.Lfunc_end2:
_tile_overlayer_lowered:
.L_overlay_start_2:
0x37: {  	(tag) =	ssettag $0x2  }
0x38: {  	s0 =	rddreg [dreg:$0x0];
	s2 =	stileid.u32  }
0x39: {  	s1 =	rddreg [dreg:$0x1];
	p0 =	sne.s32 s2, $0x0  }
0x3a: {  	s3 =	rddreg [dreg:$0x2];
	[bflag:$0x3] =	sbarrier.arrive $0xFFFF;
	s2 =	simm.s32 @!p0 $0x1C05  }
0x3b: {  	[timem:s3], [sflag:s2] =	dma.local @!p0 [hbm:s0], s1  }
0x3c: {  	s0 =	simm.s32 @!p0 $0x5  }
0x3d: {  	_ =	swait.ge @!p0 [sflag:s0], s1  }
0x3e: {  	s1 =	ssub.s32 @!p0 $0x0, s1;
	[sflag:s0] =	ssyncset.done @!p0 $0x0  }
0x3f: {  	[sflag:s0] =	ssyncadd.s32 @!p0 s1  }
0x40: {  	[bflag:$0x3] =	sbarrier.arrive $0xFFFF  }
0x41: {  	_ =	shalt  }

</sc_bundles>
